<compile_context>
chip_gen: v7x
topology: tpu7x:2x2x1
jax: 0.10.2.dev20260603
libtpu: 0.0.44.dev20260713+nightly
codegen_flags: <defaults>
</compile_context>

<pallas_src>
import functools

import jax
import jax.numpy as jnp
from jax import lax
from jax.experimental import pallas as pl
from jax.experimental.pallas import tpu as pltpu
from jax.experimental.pallas import tpu_sc as plsc

N_NODES = 10000
N_EDGES = 160000
D_IN = 512
D_OUT = 256

NC = 2
NS = 16
CHUNK = 125
CHUNKS_PER_TILE = 80
DH = D_OUT // NC
STRIPE = 632
ACC_ROWS = NS * STRIPE
ROW_BLK = 2000


def _matmul_body(x_ref, w_ref, o_ref):
    o_ref[0, :, :] = lax.dot_general(
        x_ref[...].astype(jnp.bfloat16), w_ref[...].astype(jnp.bfloat16),
        (((1,), (0,)), ((), ())),
        preferred_element_type=jnp.float32)


def _support_split(x, W):
    return pl.pallas_call(
        _matmul_body,
        grid=(NC, N_NODES // ROW_BLK),
        in_specs=[
            pl.BlockSpec((ROW_BLK, D_IN), lambda c, i: (i, 0)),
            pl.BlockSpec((D_IN, DH), lambda c, i: (0, c)),
        ],
        out_specs=pl.BlockSpec((1, ROW_BLK, DH), lambda c, i: (c, i, 0)),
        out_shape=jax.ShapeDtypeStruct((NC, N_NODES, DH), jnp.float32),
    )(x, W)


@functools.partial(
    pl.kernel,
    mesh=plsc.VectorSubcoreMesh(core_axis_name="c", subcore_axis_name="s"),
    out_type=jax.ShapeDtypeStruct((N_NODES, D_OUT), jnp.float32),
    scratch_types=[
        pltpu.VMEM((CHUNKS_PER_TILE, CHUNK), jnp.int32),
        pltpu.VMEM((CHUNKS_PER_TILE, CHUNK), jnp.int32),
        pltpu.VMEM((CHUNK, DH), jnp.float32),
        pltpu.VMEM_SHARED((ACC_ROWS, DH), jnp.float32),
        pltpu.SemaphoreType.DMA,
    ],
)
def _sc_aggregate(support_hbm, src_hbm, dst_hbm, zeros_hbm, out_hbm,
                  src_v, dst_v, msg_v, acc_sh, sem):
    c = lax.axis_index("c")
    s = lax.axis_index("s")
    tbl = support_hbm.at[c]

    pltpu.sync_copy(zeros_hbm, acc_sh.at[pl.ds(s * STRIPE, STRIPE)])
    pltpu.sync_copy(src_hbm.at[s], src_v)
    pltpu.sync_copy(dst_hbm.at[s], dst_v)
    plsc.subcore_barrier()

    @pl.loop(0, CHUNKS_PER_TILE)
    def _(j):
        pltpu.async_copy(tbl.at[src_v.at[j]], msg_v, sem).wait()
        pltpu.sync_copy(msg_v, acc_sh.at[dst_v.at[j]], add=True)

    plsc.subcore_barrier()

    @pl.when(s < NS - 1)
    def _():
        pltpu.sync_copy(acc_sh.at[pl.ds(s * STRIPE, STRIPE)],
                        out_hbm.at[pl.ds(s * STRIPE, STRIPE), pl.ds(c * DH, DH)])

    @pl.when(s == NS - 1)
    def _():
        last = N_NODES - (NS - 1) * STRIPE
        pltpu.sync_copy(acc_sh.at[pl.ds((NS - 1) * STRIPE, last)],
                        out_hbm.at[pl.ds((NS - 1) * STRIPE, last), pl.ds(c * DH, DH)])


def kernel(adj, x, W):
    support = _support_split(x, W)

    src4 = adj[0].reshape(NS, CHUNKS_PER_TILE, CHUNK)
    dst4 = adj[1].reshape(NS, CHUNKS_PER_TILE, CHUNK)
    zeros = jnp.zeros((STRIPE, DH), jnp.float32)

    return _sc_aggregate(support, src4, dst4, zeros)

# --- scband reference (transcript-rebuilt; emitter-appended) ---
"""Pipeline reference for scband-gcn-decoder-48679159333564 (READ-ONLY COPY).

The authoritative reference and input builder live on the scoring server;
editing this copy changes nothing except your own understanding.
"""

import jax, jax.numpy as jnp
import numpy as np

N_NODES = 10000
N_EDGES = 160000
D_IN = 512
D_OUT = 256

def setup_inputs(seed: int = 0) -> dict:
    key = jax.random.key(seed)
    k1, k2, k3 = jax.random.split(key, 3)
    x = jax.random.normal(k1, (N_NODES, D_IN), dtype=jnp.float32)
    adj = jax.random.randint(k2, (2, N_EDGES), 0, N_NODES, dtype=jnp.int32)
    W = jax.random.normal(k3, (D_IN, D_OUT), dtype=jnp.float32) * (1.0 / np.sqrt(D_IN))
    return {"adj": adj, "x": x, "W": W}

def reference(adj, x, W):
    # GraphConvolution(input_dim=hidden2, output_dim=num_features, act=identity):
    #   support = dropout(x) @ W   (dropout=0.0 -> identity)
    #   out = adj_sparse @ support  (sparse-dense matmul == gather + scatter-add over edges)
    support = x @ W
    src = adj[0]
    dst = adj[1]
    msgs = jnp.take(support, src, axis=0)
    out = jax.ops.segment_sum(msgs, dst, num_segments=N_NODES)
    # act = lambda x: x (identity)
    return out

if __name__ == "__main__":
    import jax
    _d = setup_inputs()
    print(jax.jit(kernel)(*tuple(_d.values())))

</pallas_src>

<mosaic_0001>
#map = affine_map<(d0, d1) -> (0, 0, 0)>
#map1 = affine_map<(d0, d1) -> (0, 0)>
module attributes {stable_mosaic.version = 14 : i64} {
  func.func @_sc_aggregate(%arg0: i32, %arg1: i32, %arg2: memref<2x10000x128xf32, #tpu.memory_space<hbm>>, %arg3: memref<16x80x125xi32, #tpu.memory_space<hbm>>, %arg4: memref<16x80x125xi32, #tpu.memory_space<hbm>>, %arg5: memref<632x128xf32, #tpu.memory_space<hbm>>, %arg6: memref<10000x256xf32, #tpu.memory_space<hbm>>, %arg7: memref<80x125xi32, #tpu.memory_space<vmem>>, %arg8: memref<80x125xi32, #tpu.memory_space<vmem>>, %arg9: memref<125x128xf32, #tpu.memory_space<vmem>>, %arg10: memref<10112x128xf32, #tpu.memory_space<vmem_shared>>, %arg11: memref<!tpu.dma_semaphore, #tpu.memory_space<semaphore_mem>>) attributes {dimension_semantics = [#tpu.dimension_semantics<core_parallel>, #tpu.dimension_semantics<subcore_parallel>], iteration_bounds = array<i64: 2, 16>, scalar_prefetch = 0 : i64, scratch_operands = 5 : i64, tpu.core_type = #tpu.core_type<sc_vector_subcore>, window_params = [{transform_indices = #map}, {transform_indices = #map}, {transform_indices = #map}, {transform_indices = #map1}, {transform_indices = #map1}]} {
    %mul3A = arith.constant 632 : i32
    %mul3A_0 = arith.muli %arg1, %mul3A : i32
    "tpu.region"() ({
      %run_scoped3A = tpu.sem_alloc : memref<!tpu.dma_semaphore, #tpu.memory_space<semaphore_mem>>
      %dma_start3A = arith.constant 0 : i32
      %dma_start3A_12 = tpu.memref_slice %arg10[%mul3A_0, %dma_start3A] : memref<10112x128xf32, #tpu.memory_space<vmem_shared>> -> memref<632x128xf32, #tpu.memory_space<vmem_shared>>
      tpu.enqueue_dma source(%arg5 : memref<632x128xf32, #tpu.memory_space<hbm>>) target(%dma_start3A_12 : memref<632x128xf32, #tpu.memory_space<vmem_shared>>) target_semaphore(%run_scoped3A : memref<!tpu.dma_semaphore, #tpu.memory_space<semaphore_mem>>)
      %dma_wait3A = arith.constant 0 : i32
      %dma_wait3A_13 = tpu.memref_slice %arg10[%mul3A_0, %dma_wait3A] : memref<10112x128xf32, #tpu.memory_space<vmem_shared>> -> memref<632x128xf32, #tpu.memory_space<vmem_shared>>
      tpu.wait_dma2 semaphore(%run_scoped3A : memref<!tpu.dma_semaphore, #tpu.memory_space<semaphore_mem>>) src(%arg5 : memref<632x128xf32, #tpu.memory_space<hbm>>) dst(%dma_wait3A_13 : memref<632x128xf32, #tpu.memory_space<vmem_shared>>)
      tpu.yield
    }) : () -> ()
    "tpu.region"() ({
      %run_scoped3A = tpu.sem_alloc : memref<!tpu.dma_semaphore, #tpu.memory_space<semaphore_mem>>
      %dma_start3A = arith.constant 0 : i32
      %dma_start3A_12 = arith.constant 0 : i32
      %dma_start3A_13 = tpu.memref_slice %arg3[%arg1, %dma_start3A, %dma_start3A_12] : memref<16x80x125xi32, #tpu.memory_space<hbm>> -> memref<1x80x125xi32, #tpu.memory_space<hbm>>
      %dma_start3A_14 = tpu.memref_squeeze %dma_start3A_13 : memref<1x80x125xi32, #tpu.memory_space<hbm>> -> memref<80x125xi32, #tpu.memory_space<hbm>>
      %dma_start3A_15 = arith.constant 0 : i32
      %dma_start3A_16 = arith.constant 0 : i32
      %dma_start3A_17 = tpu.memref_slice %arg3[%arg1, %dma_start3A_15, %dma_start3A_16] : memref<16x80x125xi32, #tpu.memory_space<hbm>> -> memref<1x80x125xi32, #tpu.memory_space<hbm>>
      %dma_start3A_18 = tpu.memref_squeeze %dma_start3A_17 : memref<1x80x125xi32, #tpu.memory_space<hbm>> -> memref<80x125xi32, #tpu.memory_space<hbm>>
      tpu.enqueue_dma source(%dma_start3A_18 : memref<80x125xi32, #tpu.memory_space<hbm>>) target(%arg7 : memref<80x125xi32, #tpu.memory_space<vmem>>) target_semaphore(%run_scoped3A : memref<!tpu.dma_semaphore, #tpu.memory_space<semaphore_mem>>)
      %dma_wait3A = arith.constant 0 : i32
      %dma_wait3A_19 = arith.constant 0 : i32
      %dma_wait3A_20 = tpu.memref_slice %arg3[%arg1, %dma_wait3A, %dma_wait3A_19] : memref<16x80x125xi32, #tpu.memory_space<hbm>> -> memref<1x80x125xi32, #tpu.memory_space<hbm>>
      %dma_wait3A_21 = tpu.memref_squeeze %dma_wait3A_20 : memref<1x80x125xi32, #tpu.memory_space<hbm>> -> memref<80x125xi32, #tpu.memory_space<hbm>>
      %dma_wait3A_22 = arith.constant 0 : i32
      %dma_wait3A_23 = arith.constant 0 : i32
      %dma_wait3A_24 = tpu.memref_slice %arg3[%arg1, %dma_wait3A_22, %dma_wait3A_23] : memref<16x80x125xi32, #tpu.memory_space<hbm>> -> memref<1x80x125xi32, #tpu.memory_space<hbm>>
      %dma_wait3A_25 = tpu.memref_squeeze %dma_wait3A_24 : memref<1x80x125xi32, #tpu.memory_space<hbm>> -> memref<80x125xi32, #tpu.memory_space<hbm>>
      tpu.wait_dma2 semaphore(%run_scoped3A : memref<!tpu.dma_semaphore, #tpu.memory_space<semaphore_mem>>) src(%dma_wait3A_25 : memref<80x125xi32, #tpu.memory_space<hbm>>) dst(%arg7 : memref<80x125xi32, #tpu.memory_space<vmem>>)
      tpu.yield
    }) : () -> ()
    "tpu.region"() ({
      %run_scoped3A = tpu.sem_alloc : memref<!tpu.dma_semaphore, #tpu.memory_space<semaphore_mem>>
      %dma_start3A = arith.constant 0 : i32
      %dma_start3A_12 = arith.constant 0 : i32
      %dma_start3A_13 = tpu.memref_slice %arg4[%arg1, %dma_start3A, %dma_start3A_12] : memref<16x80x125xi32, #tpu.memory_space<hbm>> -> memref<1x80x125xi32, #tpu.memory_space<hbm>>
      %dma_start3A_14 = tpu.memref_squeeze %dma_start3A_13 : memref<1x80x125xi32, #tpu.memory_space<hbm>> -> memref<80x125xi32, #tpu.memory_space<hbm>>
      %dma_start3A_15 = arith.constant 0 : i32
      %dma_start3A_16 = arith.constant 0 : i32
      %dma_start3A_17 = tpu.memref_slice %arg4[%arg1, %dma_start3A_15, %dma_start3A_16] : memref<16x80x125xi32, #tpu.memory_space<hbm>> -> memref<1x80x125xi32, #tpu.memory_space<hbm>>
      %dma_start3A_18 = tpu.memref_squeeze %dma_start3A_17 : memref<1x80x125xi32, #tpu.memory_space<hbm>> -> memref<80x125xi32, #tpu.memory_space<hbm>>
      tpu.enqueue_dma source(%dma_start3A_18 : memref<80x125xi32, #tpu.memory_space<hbm>>) target(%arg8 : memref<80x125xi32, #tpu.memory_space<vmem>>) target_semaphore(%run_scoped3A : memref<!tpu.dma_semaphore, #tpu.memory_space<semaphore_mem>>)
      %dma_wait3A = arith.constant 0 : i32
      %dma_wait3A_19 = arith.constant 0 : i32
      %dma_wait3A_20 = tpu.memref_slice %arg4[%arg1, %dma_wait3A, %dma_wait3A_19] : memref<16x80x125xi32, #tpu.memory_space<hbm>> -> memref<1x80x125xi32, #tpu.memory_space<hbm>>
      %dma_wait3A_21 = tpu.memref_squeeze %dma_wait3A_20 : memref<1x80x125xi32, #tpu.memory_space<hbm>> -> memref<80x125xi32, #tpu.memory_space<hbm>>
      %dma_wait3A_22 = arith.constant 0 : i32
      %dma_wait3A_23 = arith.constant 0 : i32
      %dma_wait3A_24 = tpu.memref_slice %arg4[%arg1, %dma_wait3A_22, %dma_wait3A_23] : memref<16x80x125xi32, #tpu.memory_space<hbm>> -> memref<1x80x125xi32, #tpu.memory_space<hbm>>
      %dma_wait3A_25 = tpu.memref_squeeze %dma_wait3A_24 : memref<1x80x125xi32, #tpu.memory_space<hbm>> -> memref<80x125xi32, #tpu.memory_space<hbm>>
      tpu.wait_dma2 semaphore(%run_scoped3A : memref<!tpu.dma_semaphore, #tpu.memory_space<semaphore_mem>>) src(%dma_wait3A_25 : memref<80x125xi32, #tpu.memory_space<hbm>>) dst(%arg8 : memref<80x125xi32, #tpu.memory_space<vmem>>)
      tpu.yield
    }) : () -> ()
    %barrier3A = arith.constant 0 : index
    tpu.barrier barrier_id(%barrier3A)
    %scan3A = arith.constant 0 : i32
    %scan3A_1 = arith.constant 80 : i32
    %scan3A_2 = arith.addi %scan3A, %scan3A_1 : i32
    %scan3A_3 = arith.constant 1 : i32
    scf.for %scan3A_12 = %scan3A to %scan3A_2 step %scan3A_3  : i32 {
      %mul3A_13 = arith.constant 1 : i32
      %mul3A_14 = arith.muli %scan3A_12, %mul3A_13 : i32
      %add3A = arith.constant 0 : i32
      %add3A_15 = arith.addi %add3A, %mul3A_14 : i32
      %dma_start3A = arith.constant 0 : i32
      %dma_start3A_16 = tpu.memref_slice %arg7[%add3A_15, %dma_start3A] : memref<80x125xi32, #tpu.memory_space<vmem>> -> memref<1x125xi32, #tpu.memory_space<vmem>>
      %dma_start3A_17 = tpu.memref_squeeze %dma_start3A_16 : memref<1x125xi32, #tpu.memory_space<vmem>> -> memref<125xi32, #tpu.memory_space<vmem>>
      %dma_start3A_18 = arith.constant 0 : i32
      %dma_start3A_19 = arith.constant 0 : i32
      %dma_start3A_20 = tpu.memref_slice %arg2[%arg0, %dma_start3A_18, %dma_start3A_19] : memref<2x10000x128xf32, #tpu.memory_space<hbm>> -> memref<1x10000x128xf32, #tpu.memory_space<hbm>>
      %dma_start3A_21 = tpu.memref_squeeze %dma_start3A_20 : memref<1x10000x128xf32, #tpu.memory_space<hbm>> -> memref<10000x128xf32, #tpu.memory_space<hbm>>
      %dma_start3A_22 = arith.constant 0 : i32
      %dma_start3A_23 = arith.constant 0 : i32
      %dma_start3A_24 = tpu.memref_slice %dma_start3A_21[%dma_start3A_22, %dma_start3A_23] : memref<10000x128xf32, #tpu.memory_space<hbm>> -> memref<10000x128xf32, #tpu.memory_space<hbm>>
      tpu.enqueue_indirect_dma source(%dma_start3A_24 : memref<10000x128xf32, #tpu.memory_space<hbm>>) target(%arg9 : memref<125x128xf32, #tpu.memory_space<vmem>>) offsets(%dma_start3A_17 : memref<125xi32, #tpu.memory_space<vmem>>) semaphore(%arg11 : memref<!tpu.dma_semaphore, #tpu.memory_space<semaphore_mem>>)
      %dma_wait3A = arith.constant 0 : i32
      %dma_wait3A_25 = tpu.memref_slice %arg7[%add3A_15, %dma_wait3A] : memref<80x125xi32, #tpu.memory_space<vmem>> -> memref<1x125xi32, #tpu.memory_space<vmem>>
      %dma_wait3A_26 = tpu.memref_squeeze %dma_wait3A_25 : memref<1x125xi32, #tpu.memory_space<vmem>> -> memref<125xi32, #tpu.memory_space<vmem>>
      %dma_wait3A_27 = arith.constant 0 : i32
      %dma_wait3A_28 = arith.constant 0 : i32
      %dma_wait3A_29 = tpu.memref_slice %arg2[%arg0, %dma_wait3A_27, %dma_wait3A_28] : memref<2x10000x128xf32, #tpu.memory_space<hbm>> -> memref<1x10000x128xf32, #tpu.memory_space<hbm>>
      %dma_wait3A_30 = tpu.memref_squeeze %dma_wait3A_29 : memref<1x10000x128xf32, #tpu.memory_space<hbm>> -> memref<10000x128xf32, #tpu.memory_space<hbm>>
      %dma_wait3A_31 = arith.constant 0 : i32
      %dma_wait3A_32 = arith.constant 0 : i32
      %dma_wait3A_33 = tpu.memref_slice %dma_wait3A_30[%dma_wait3A_31, %dma_wait3A_32] : memref<10000x128xf32, #tpu.memory_space<hbm>> -> memref<10000x128xf32, #tpu.memory_space<hbm>>
      tpu.wait_indirect_dma semaphore(%arg11 : memref<!tpu.dma_semaphore, #tpu.memory_space<semaphore_mem>>) src(%dma_wait3A_33 : memref<10000x128xf32, #tpu.memory_space<hbm>>) dst(%arg9 : memref<125x128xf32, #tpu.memory_space<vmem>>)
      "tpu.region"() ({
        %run_scoped3A = tpu.sem_alloc : memref<!tpu.dma_semaphore, #tpu.memory_space<semaphore_mem>>
        %dma_start3A_34 = arith.constant 0 : i32
        %dma_start3A_35 = tpu.memref_slice %arg8[%add3A_15, %dma_start3A_34] : memref<80x125xi32, #tpu.memory_space<vmem>> -> memref<1x125xi32, #tpu.memory_space<vmem>>
        %dma_start3A_36 = tpu.memref_squeeze %dma_start3A_35 : memref<1x125xi32, #tpu.memory_space<vmem>> -> memref<125xi32, #tpu.memory_space<vmem>>
        %dma_start3A_37 = arith.constant 0 : i32
        %dma_start3A_38 = arith.constant 0 : i32
        %dma_start3A_39 = tpu.memref_slice %arg10[%dma_start3A_37, %dma_start3A_38] : memref<10112x128xf32, #tpu.memory_space<vmem_shared>> -> memref<10112x128xf32, #tpu.memory_space<vmem_shared>>
        tpu.enqueue_indirect_dma source(%arg9 : memref<125x128xf32, #tpu.memory_space<vmem>>) target(%dma_start3A_39 : memref<10112x128xf32, #tpu.memory_space<vmem_shared>>) offsets(%dma_start3A_36 : memref<125xi32, #tpu.memory_space<vmem>>) semaphore(%run_scoped3A : memref<!tpu.dma_semaphore, #tpu.memory_space<semaphore_mem>>) {add = true}
        %dma_wait3A_40 = arith.constant 0 : i32
        %dma_wait3A_41 = tpu.memref_slice %arg8[%add3A_15, %dma_wait3A_40] : memref<80x125xi32, #tpu.memory_space<vmem>> -> memref<1x125xi32, #tpu.memory_space<vmem>>
        %dma_wait3A_42 = tpu.memref_squeeze %dma_wait3A_41 : memref<1x125xi32, #tpu.memory_space<vmem>> -> memref<125xi32, #tpu.memory_space<vmem>>
        %dma_wait3A_43 = arith.constant 0 : i32
        %dma_wait3A_44 = arith.constant 0 : i32
        %dma_wait3A_45 = tpu.memref_slice %arg10[%dma_wait3A_43, %dma_wait3A_44] : memref<10112x128xf32, #tpu.memory_space<vmem_shared>> -> memref<10112x128xf32, #tpu.memory_space<vmem_shared>>
        tpu.wait_indirect_dma semaphore(%run_scoped3A : memref<!tpu.dma_semaphore, #tpu.memory_space<semaphore_mem>>) src(%arg9 : memref<125x128xf32, #tpu.memory_space<vmem>>) dst(%dma_wait3A_45 : memref<10112x128xf32, #tpu.memory_space<vmem_shared>>)
        tpu.yield
      }) : () -> ()
    }
    %scan3A_4 = arith.constant 80 : i32
    %barrier3A_5 = arith.constant 0 : index
    tpu.barrier barrier_id(%barrier3A_5)
    %lt3A = arith.constant 15 : i32
    %lt3A_6 = arith.cmpi slt, %arg1, %lt3A : i32
    %convert_element_type3A = arith.extui %lt3A_6 : i1 to i32
    %cond3A = arith.constant 0 : i32
    %cond3A_7 = arith.cmpi ne, %convert_element_type3A, %cond3A : i32
    scf.if %cond3A_7 {
      %mul3A_12 = arith.constant 632 : i32
      %mul3A_13 = arith.muli %arg1, %mul3A_12 : i32
      %mul3A_14 = arith.constant 632 : i32
      %mul3A_15 = arith.muli %arg1, %mul3A_14 : i32
      %mul3A_16 = arith.constant 128 : i32
      %mul3A_17 = arith.muli %arg0, %mul3A_16 : i32
      "tpu.region"() ({
        %run_scoped3A = tpu.sem_alloc : memref<!tpu.dma_semaphore, #tpu.memory_space<semaphore_mem>>
        %dma_start3A = tpu.memref_slice %arg6[%mul3A_15, %mul3A_17] : memref<10000x256xf32, #tpu.memory_space<hbm>> -> memref<632x128xf32, #tpu.memory_space<hbm>>
        %dma_start3A_18 = arith.constant 0 : i32
        %dma_start3A_19 = tpu.memref_slice %arg10[%mul3A_13, %dma_start3A_18] : memref<10112x128xf32, #tpu.memory_space<vmem_shared>> -> memref<632x128xf32, #tpu.memory_space<vmem_shared>>
        tpu.enqueue_dma source(%dma_start3A_19 : memref<632x128xf32, #tpu.memory_space<vmem_shared>>) target(%dma_start3A : memref<632x128xf32, #tpu.memory_space<hbm>>) target_semaphore(%run_scoped3A : memref<!tpu.dma_semaphore, #tpu.memory_space<semaphore_mem>>)
        %dma_wait3A = tpu.memref_slice %arg6[%mul3A_15, %mul3A_17] : memref<10000x256xf32, #tpu.memory_space<hbm>> -> memref<632x128xf32, #tpu.memory_space<hbm>>
        %dma_wait3A_20 = arith.constant 0 : i32
        %dma_wait3A_21 = tpu.memref_slice %arg10[%mul3A_13, %dma_wait3A_20] : memref<10112x128xf32, #tpu.memory_space<vmem_shared>> -> memref<632x128xf32, #tpu.memory_space<vmem_shared>>
        tpu.wait_dma2 semaphore(%run_scoped3A : memref<!tpu.dma_semaphore, #tpu.memory_space<semaphore_mem>>) src(%dma_wait3A_21 : memref<632x128xf32, #tpu.memory_space<vmem_shared>>) dst(%dma_wait3A : memref<632x128xf32, #tpu.memory_space<hbm>>)
        tpu.yield
      }) : () -> ()
    } else {
    }
    %eq3A = arith.constant 15 : i32
    %eq3A_8 = arith.cmpi eq, %arg1, %eq3A : i32
    %convert_element_type3A_9 = arith.extui %eq3A_8 : i1 to i32
    %cond3A_10 = arith.constant 0 : i32
    %cond3A_11 = arith.cmpi ne, %convert_element_type3A_9, %cond3A_10 : i32
    scf.if %cond3A_11 {
      %mul3A_12 = arith.constant 128 : i32
      %mul3A_13 = arith.muli %arg0, %mul3A_12 : i32
      "tpu.region"() ({
        %run_scoped3A = tpu.sem_alloc : memref<!tpu.dma_semaphore, #tpu.memory_space<semaphore_mem>>
        %dma_start3A = arith.constant 9480 : i32
        %dma_start3A_14 = tpu.memref_slice %arg6[%dma_start3A, %mul3A_13] : memref<10000x256xf32, #tpu.memory_space<hbm>> -> memref<520x128xf32, #tpu.memory_space<hbm>>
        %dma_start3A_15 = arith.constant 9480 : i32
        %dma_start3A_16 = arith.constant 0 : i32
        %dma_start3A_17 = tpu.memref_slice %arg10[%dma_start3A_15, %dma_start3A_16] : memref<10112x128xf32, #tpu.memory_space<vmem_shared>> -> memref<520x128xf32, #tpu.memory_space<vmem_shared>>
        tpu.enqueue_dma source(%dma_start3A_17 : memref<520x128xf32, #tpu.memory_space<vmem_shared>>) target(%dma_start3A_14 : memref<520x128xf32, #tpu.memory_space<hbm>>) target_semaphore(%run_scoped3A : memref<!tpu.dma_semaphore, #tpu.memory_space<semaphore_mem>>)
        %dma_wait3A = arith.constant 9480 : i32
        %dma_wait3A_18 = tpu.memref_slice %arg6[%dma_wait3A, %mul3A_13] : memref<10000x256xf32, #tpu.memory_space<hbm>> -> memref<520x128xf32, #tpu.memory_space<hbm>>
        %dma_wait3A_19 = arith.constant 9480 : i32
        %dma_wait3A_20 = arith.constant 0 : i32
        %dma_wait3A_21 = tpu.memref_slice %arg10[%dma_wait3A_19, %dma_wait3A_20] : memref<10112x128xf32, #tpu.memory_space<vmem_shared>> -> memref<520x128xf32, #tpu.memory_space<vmem_shared>>
        tpu.wait_dma2 semaphore(%run_scoped3A : memref<!tpu.dma_semaphore, #tpu.memory_space<semaphore_mem>>) src(%dma_wait3A_21 : memref<520x128xf32, #tpu.memory_space<vmem_shared>>) dst(%dma_wait3A_18 : memref<520x128xf32, #tpu.memory_space<hbm>>)
        tpu.yield
      }) : () -> ()
    } else {
    }
    return
  }
}

module attributes {stable_mosaic.version = 14 : i64} {
  func.func @_matmul_body(%arg0: i32, %arg1: i32, %arg2: memref<2000x512xf32, #tpu.memory_space<vmem>>, %arg3: memref<512x128xf32, #tpu.memory_space<vmem>>, %arg4: memref<1x2000x128xf32, #tpu.memory_space<vmem>>) attributes {dimension_semantics = [#tpu.dimension_semantics<arbitrary>, #tpu.dimension_semantics<arbitrary>], iteration_bounds = array<i64: 2, 5>, scalar_prefetch = 0 : i64, scratch_operands = 0 : i64, tpu.core_type = #tpu.core_type<tc>, window_params = [{transform_indices = @transform_0, window_bounds = array<i64: 2000, 512>}, {transform_indices = @transform_1, window_bounds = array<i64: 512, 128>}, {transform_indices = @transform_2, window_bounds = array<i64: 1, 2000, 128>}]} {
    %get3A = arith.constant 0 : index
    %get3A_0 = arith.constant 0 : index
    %get3A_1 = vector.load %arg2[%get3A, %get3A_0] : memref<2000x512xf32, #tpu.memory_space<vmem>>, vector<2000x512xf32>
    %convert_element_type3A = arith.truncf %get3A_1 : vector<2000x512xf32> to vector<2000x512xbf16>
    %get3A_2 = arith.constant 0 : index
    %get3A_3 = arith.constant 0 : index
    %get3A_4 = vector.load %arg3[%get3A_2, %get3A_3] : memref<512x128xf32, #tpu.memory_space<vmem>>, vector<512x128xf32>
    %convert_element_type3A_5 = arith.truncf %get3A_4 : vector<512x128xf32> to vector<512x128xbf16>
    %dot_general3A = arith.constant dense<0.000000e+00> : vector<2000x128xf32>
    %dot_general3A_6 = tpu.matmul %convert_element_type3A, %convert_element_type3A_5, %dot_general3A {dimension_numbers = #tpu.dot_dimension_numbers<[1], [0], [0], [1], [0, 0, 1, 1], [], []>, transpose_lhs_hint = false} : vector<2000x512xbf16>, vector<512x128xbf16>, vector<2000x128xf32> -> vector<2000x128xf32>
    %swap3A = arith.constant 0 : index
    %swap3A_7 = arith.constant 0 : index
    %swap3A_8 = arith.constant 0 : index
    %swap3A_9 = vector.load %arg4[%swap3A, %swap3A_7, %swap3A_8] : memref<1x2000x128xf32, #tpu.memory_space<vmem>>, vector<1x2000x128xf32>
    %swap3A_10 = vector.shape_cast %swap3A_9 : vector<1x2000x128xf32> to vector<2000x128xf32>
    %swap3A_11 = vector.shape_cast %dot_general3A_6 : vector<2000x128xf32> to vector<1x2000x128xf32>
    tpu.vector_store %arg4[%swap3A, %swap3A_7, %swap3A_8], %swap3A_11 {strides = array<i32>} : memref<1x2000x128xf32, #tpu.memory_space<vmem>>, vector<1x2000x128xf32>,
    return
  }
  func.func @transform_0(%arg0: i32, %arg1: i32) -> (i32, i32) {
    %c0_i32 = arith.constant 0 : i32
    %c0_i32_0 = arith.constant 0 : i32
    return %arg1, %c0_i32 : i32, i32
  }
  func.func @transform_1(%arg0: i32, %arg1: i32) -> (i32, i32) {
    %c0_i32 = arith.constant 0 : i32
    %c0_i32_0 = arith.constant 0 : i32
    return %c0_i32, %arg0 : i32, i32
  }
  func.func @transform_2(%arg0: i32, %arg1: i32) -> (i32, i32, i32) {
    %c0_i32 = arith.constant 0 : i32
    %c0_i32_0 = arith.constant 0 : i32
    return %arg0, %arg1, %c0_i32 : i32, i32, i32
  }
}

</mosaic_0001>

<sc_bundles>
// kernel: kernel.4.cloned.1.call-start
scs
__scs_entry_jumppad:
0x0: {  	(pc) =	sbr.rel $0x88, $3  }
0x1: {  	(tag) =	ssettag $0x0;
	lr =	simm.s32 $0x1  }
0x2: {  	[smem:$0x3F9E] =	sst lr;
	_ =	strace $0xD0000000  }
0x3: {  	_ = 	snop  }
0x4: {  	_ = 	snop  }
0x5: {  	_ = 	snop  }
0x6: {  	_ = 	snop  }
0x7: {  	_ = 	snop  }
__scs_overlays_trampoline_lowered:
0x8: {  	[smem:$0x3FAD] =	sst s0  }
0x9: {  	[smem:$0x3FAE] =	sst s1  }
0xa: {  	[smem:$0x3FAF] =	sst s2  }
0xb: {  	[smem:$0x3FB0] =	sst s3  }
0xc: {  	[smem:$0x3FB1] =	sst s4  }
0xd: {  	[smem:$0x3FB2] =	sst s5  }
0xe: {  	[smem:$0x3FB3] =	sst s6  }
0xf: {  	[smem:$0x3FB4] =	sst s7  }
0x10: {  	[smem:$0x3FB5] =	sst s8  }
0x11: {  	[smem:$0x3FB6] =	sst s9;
	s0 =	simm.s32 @!p0 $0x0  }
0x12: {  	s1 =	sld [smem:$0x3F9C];
	s0 =	simm.s32 @p0 $0x1  }
0x13: {  	[smem:$0x3FB7] =	sst s0;
	s0 =	simm.s32 @!p1 $0x0  }
0x14: {  	s2 =	sld [smem:$0x3F9B];
	s0 =	simm.s32 @p1 $0x1  }
0x15: {  	[smem:$0x3FB8] =	sst s0;
	s0 =	simm.s32 @!p2 $0x0  }
0x16: {  	s3 =	sld [smem:$0x3FDB];
	s0 =	simm.s32 @p2 $0x1  }
0x17: {  	s4 =	simm.s32 $0x1BF5;
	[smem:$0x3FBA] =	sst s0  }
0x18: {  	s0 =	sld [smem:$0x3F9D];
	_ =	swait.ge [sflag:s4], $0x0  }
0x19: {  	s7 =	sld [smem:$0x3F9E]  }
0x1a: {  	s8 =	sadd.s32 $0xFFFFE003, lr  }
0x1b: {  	s9 =	sadd.s32 $0xFFFFFEF7, lr;
	s5 =	simm.s32 $0xFFFFFFFF;
	p2 =	slt.u32 s8, $0xFFFFF086  }
0x1c: {  	p1 =	slt.u32 s9, $0xF7A;
	s5 =	simm.s32 @!p2 $0x0  }
0x1d: {  	s5 =	simm.s32 @p1 $0x1;
	p0 =	seq.s32 s7, s2  }
0x1e: {  	s7 =	smul.u32 @!p0 $0xF7A, s2;
	p2 =	seq.s32 @!p0 s5, $0x0  }
0x1f: {  	s9 =	smul.u32 $0xF7A, s1;
	s8 =	simm.s32 @!p0 $0x1BF5;
	p2 =	por !p2, p0  }
0x20: {  	[sflag:s8] =	ssyncset.s32 @!p0 $0xFFFFF086;
	s6 =	sadd.s32 @!p0 s3, s7;
	s7 =	simm.s32 @!p0 $0x108  }
0x21: {  	s3 =	sadd.s32 s3, s9;
	s6 =	sadd.s32 @!p0 $0x88, s6;
	s7 =	simm.s32 @p2 $0x1082  }
0x22: {  	[simem:s7], [sflag:s8] =	dma.local @!p0 [hbm:s6], $0xF7A  }
0x23: {  	s9 =	sor.u32 $0xD0000000, s2;
	s6 =	simm.s32 $0x108;
	_ =	swait.ge @!p0 [sflag:s8], $0x0  }
0x24: {  	s3 =	sadd.s32 $0x88, s3;
	s6 =	simm.s32 @!p1 $0x1082;
	[sflag:s4] =	ssyncset.s32 $0xFFFFF086  }
0x25: {  	[simem:s6], [sflag:s4] =	dma.local [hbm:s3], $0xF7A  }
0x26: {  	[smem:$0x3F9E] =	sst s1;
	(tag) =	ssettag s2;
	_ =	strace s9  }
0x27: {  	s1 =	sld [smem:$0x3FAE]  }
0x28: {  	s2 =	sld [smem:$0x3FAF]  }
0x29: {  	s4 =	sld [smem:$0x3FB1]  }
0x2a: {  	p0 =	seq.s32 s5, $0x0;
	s5 =	sld [smem:$0x3FB2]  }
0x2b: {  	s6 =	sld [smem:$0x3FB3]  }
0x2c: {  	s7 =	sld [smem:$0x3FB4]  }
0x2d: {  	s3 =	simm.s32 $0x108;
	s8 =	sld [smem:$0x3FB5]  }
0x2e: {  	s3 =	simm.s32 @!p0 $0x1082;
	s9 =	sld [smem:$0x3FB6]  }
0x2f: {  	lr =	sadd.s32 s0, s3;
	s0 =	sld [smem:$0x3FAD]  }
0x30: {  	s3 =	sld [smem:$0x3FB0]  }
0x31: {  	[smem:$0x3FB9] =	sst s10  }
0x32: {  	s10 =	sld [smem:$0x3FB7];
	_ =	sdelay $0x3  }
0x33: {  	p0 =	seq.s32 s10, $0x1;
	s10 =	sld [smem:$0x3FB9];
	_ =	sdelay $0x3  }
0x34: {  	[smem:$0x3FB9] =	sst s10  }
0x35: {  	s10 =	sld [smem:$0x3FB8];
	_ =	sdelay $0x3  }
0x36: {  	p1 =	seq.s32 s10, $0x1;
	s10 =	sld [smem:$0x3FB9];
	_ =	sdelay $0x3  }
0x37: {  	[smem:$0x3FB9] =	sst s10  }
0x38: {  	s10 =	sld [smem:$0x3FBA]  }
0x39: {  	_ = 	snop;
	(pc) =	sbr.ind lr, $3  }
0x3a: {  	_ = 	snop  }
0x3b: {  	_ = 	snop  }
0x3c: {  	p2 =	seq.s32 s10, $0x1;
	s10 =	sld [smem:$0x3FB9]  }
0x3d: {  	_ =	shalt  }
0x3e: {  	_ =	shalt  }
0x3f: {  	_ =	shalt  }
0x40: {  	_ =	shalt  }
0x41: {  	_ =	shalt  }
0x42: {  	_ =	shalt  }
0x43: {  	_ =	shalt  }
0x44: {  	_ =	shalt  }
0x45: {  	_ =	shalt  }
0x46: {  	_ =	shalt  }
0x47: {  	_ =	shalt  }
0x48: {  	_ =	shalt  }
0x49: {  	_ =	shalt  }
0x4a: {  	_ =	shalt  }
0x4b: {  	_ =	shalt  }
0x4c: {  	_ =	shalt  }
0x4d: {  	_ =	shalt  }
0x4e: {  	_ =	shalt  }
0x4f: {  	_ =	shalt  }
0x50: {  	_ =	shalt  }
0x51: {  	_ =	shalt  }
0x52: {  	_ =	shalt  }
0x53: {  	_ =	shalt  }
0x54: {  	_ =	shalt  }
0x55: {  	_ =	shalt  }
0x56: {  	_ =	shalt  }
0x57: {  	_ =	shalt  }
0x58: {  	_ =	shalt  }
0x59: {  	_ =	shalt  }
0x5a: {  	_ =	shalt  }
0x5b: {  	_ =	shalt  }
0x5c: {  	_ =	shalt  }
0x5d: {  	_ =	shalt  }
0x5e: {  	_ =	shalt  }
0x5f: {  	_ =	shalt  }
0x60: {  	_ =	shalt  }
0x61: {  	_ =	shalt  }
0x62: {  	_ =	shalt  }
0x63: {  	_ =	shalt  }
0x64: {  	_ =	shalt  }
0x65: {  	_ =	shalt  }
0x66: {  	_ =	shalt  }
0x67: {  	_ =	shalt  }
0x68: {  	_ =	shalt  }
0x69: {  	_ =	shalt  }
0x6a: {  	_ =	shalt  }
0x6b: {  	_ =	shalt  }
0x6c: {  	_ =	shalt  }
0x6d: {  	_ =	shalt  }
0x6e: {  	_ =	shalt  }
0x6f: {  	_ =	shalt  }
0x70: {  	_ =	shalt  }
0x71: {  	_ =	shalt  }
0x72: {  	_ =	shalt  }
0x73: {  	_ =	shalt  }
0x74: {  	_ =	shalt  }
0x75: {  	_ =	shalt  }
0x76: {  	_ =	shalt  }
0x77: {  	_ =	shalt  }
0x78: {  	_ =	shalt  }
0x79: {  	_ =	shalt  }
0x7a: {  	_ =	shalt  }
0x7b: {  	_ =	shalt  }
0x7c: {  	_ =	shalt  }
0x7d: {  	_ =	shalt  }
0x7e: {  	_ =	shalt  }
0x7f: {  	_ =	shalt  }
0x80: {  	_ =	shalt  }
0x81: {  	_ =	shalt  }
0x82: {  	_ =	shalt  }
0x83: {  	_ =	shalt  }
0x84: {  	_ =	shalt  }
0x85: {  	_ =	shalt  }
0x86: {  	_ =	shalt  }
0x87: {  	_ =	shalt  }
.Lfunc_end0:
.L_simem_size_0:
called_computation_lowered:
.L_overlay_start_0:
0x88: {  	s2 =	sld [smem:$0x3FD9]  }
0x89: {  	s3 =	sld [smem:$0x3FFE];
	_ =	sdelay $0x1  }
0x8a: {  	s1 =	srdreg.scid  }
0x8b: {  	s0 =	sand.u32 $0x1, s1  }
0x8c: {  	s17 =	sshll.u32 s0, $0xA;
	s2 =	sadd.s32 s3, s2  }
0x8d: {  	s2 =	sadd.s32 s2, s17  }
0x8e: {  	[smem:$0x3FC5] =	sst s2  }
0x8f: {  	_ = 	snop  }
0x90: {  	s2 =	sld [smem:$0x3FD0];
	(tm) =	ssettm $0x1  }
0x91: {  	s18 =	sld [smem:$0x3FFB];
	_ =	sdelay $0x3  }
0x92: {  	_ =	strace s18  }
0x93: {  	s3 =	sld [smem:$0x3FFC];
	_ =	sdelay $0x3  }
0x94: {  	_ =	strace s3  }
0x95: {  	s3 =	sld [smem:$0x3FFD];
	_ =	sdelay $0x3  }
0x96: {  	_ =	strace s3  }
0x97: {  	_ =	strace $0x8FFFFFFF  }
0x98: {  	s19 =	sld [smem:$0x3FDB];
	_ =	sdelay $0x1  }
0x99: {  	s4 =	simm.s32 $_scs_section_size  }
0x9a: {  	s5 =	simm.s32 $_size__tile_overlayer_lowered;
	s6 =	simm.s32 $_tile_overlayer_lowered  }
0x9b: {  	s22 =	simm.s32 $0x1BFF;
	s21 =	sshll.u32 s6, $0x1;
	s3 =	sadd.s32 s4, s19  }
0x9c: {  	s7 =	simm.s32 $0x0;
	s20 =	sshll.u32 s5, $0x1;
	s5 =	sadd.s32 s21, s3  }
0x9d: {  	[timem:s7], [sflag:s22] =	dma.local [hbm:s5], s20  }
0x9e: {  	_ =	swait.ge [sflag:s22], s20  }
0x9f: {  	s4 =	ssub.s32 $0x0, s20;
	[sflag:s22] =	ssyncset.done $0x0  }
0xa0: {  	[sflag:s22] =	ssyncadd.s32 s4;
	_ =	sdelay $0x1  }
0xa1: {  	s23 =	simm.s32 $0x1B8B  }
0xa2: {  	_ =	swait.ge [sflag:s23], $0x1  }
0xa3: {  	[sflag:s23] =	ssyncset.done $0x0  }
0xa4: {  	s25 =	simm.s32 $0x1B8E;
	s24 =	sld [smem:$0x3FFE];
	[sflag:s23] =	ssyncadd.s32 $0xFFFFFFFF  }
0xa5: {  	s26 =	simm.s32 $execute0_lowered;
	[smem:$0x3FD2] =	sst s25  }
0xa6: {  	s5 =	sshll.u32 s26, $0x1;
	_ =	strace $0x80000046;
	[dreg:$0x1] =	wrdreg $0xFFFFFFFF  }
0xa7: {  	s28 =	simm.s32 $_size_execute0_lowered;
	s3 =	sadd.s32 s3, s5;
	[dreg:$0x0] =	wrdreg $0x0  }
0xa8: {  	s5 =	sshll.u32 s28, $0x1;
	[dreg:$0x2] =	wrdreg s3  }
0xa9: {  	[dreg:$0x3] =	wrdreg s5  }
0xaa: {  	[dreg:$0x4] =	wrdreg $0xC0  }
0xab: {  	_ =	task [dreg:s7], $0x5FFFF  }
0xac: {  	[dreg:$0x1] =	wrdreg $0xFFFFFFFF  }
0xad: {  	[dreg:$0x0] =	wrdreg $0x60  }
0xae: {  	[dreg:$0x2] =	wrdreg s24  }
0xaf: {  	[dreg:$0x3] =	wrdreg s2  }
0xb0: {  	[dreg:$0x4] =	wrdreg $0x90000  }
0xb1: {  	[dreg:$0x5] =	wrdreg $0x9  }
0xb2: {  	_ =	task.clear_ibuf [dreg:s7], $0x6FFFF;
	_ =	strace $0x90000046  }
0xb3: {  	s29 =	simm.s32 $0x9;
	_ =	strace $0x80000048  }
0xb4: {  	_ =	swait.ge [sflag:s29], $0x1  }
0xb5: {  	[sflag:s29] =	ssyncadd.s32 $0xFFFFFFFF  }
0xb6: {  	_ =	strace $0x90000048  }
0xb7: {  	_ =	sfence  }
0xb8: {  	s30 =	sld [smem:$0x0];
	_ =	sdelay $0x2  }
0xb9: {  	s31 =	sshll.u32 s1, $0xD;
	s1 =	sshrl.u32 s1, $0x2  }
0xba: {  	s3 =	sand.u32 $0x4000, s31;
	s1 =	sadd.s32 s1, s30  }
0xbb: {  	s0 =	sor.u32 s3, s0;
	s1 =	sshll.u32 s1, $0x11  }
0xbc: {  	s0 =	sor.u32 s1, s0  }
0xbd: {  	s0 =	sadd.s32 $0x8F2B, s0  }
0xbe: {  	[sflag:s0] =	ssyncadd.remote.s32 $0x1  }
0xbf: {  	_ =	sfence.sel $0xFFFF  }
0xc0: {  	[dreg:$0x0] =	wrdreg $0xFFFFFFFF;
	(pc) =	sbr.abs _section_cstart, $3  }
0xc1: {  	[dreg:$0x1] =	wrdreg $0xFFFFFFFF  }
0xc2: {  	_ =	task.clear_ibuf [dreg:s7], $0x2FFFF;
	_ =	strace $0x9FFFFFFF  }
0xc3: {  	(tm) =	ssettm $0x7FFFFFFF  }
tec
execute0_lowered:
.L_overlay_start_1:
0x0: {  	(tag) =	ssettag $0x1  }
0x1: {  	s5 =	rddreg [dreg:$0x0]  }
0x2: {  	s10 =	rddreg [dreg:$0x1]  }
0x3: {  	s1 =	rddreg [dreg:$0x2]  }
0x4: {  	s0 =	rddreg [dreg:$0x3];
	s2 =	simm.s32 $0x0;
	s3 =	srdreg.scid  }
0x5: {  	s14 =	simm.s32 $0x2800;
	s15 =	simm.s32 $0x7D;
	s9 =	sand.u32 $0x1, s3  }
0x6: {  	s16 =	simm.s32 $0x5000;
	s3 =	stileid.u32;
	s4 =	smul.u32 $0x27100, s9  }
0x7: {  	s17 =	simm.s32 $0x1;
	s20 =	simm.s32 $0x0;
	s6 =	smul.u32 $0x4F000, s3  }
0x8: {  	[smem:$0x7FF] =	sst s2;
	s18 =	sadd.s32 $0x128400, s1;
	s12 =	smul.u32 $0x500, s3  }
0x9: {  	_ =	strace $0x80000047;
	s7 =	ssub.s32 $0x2, s9;
	s13 =	smul.u32 $0x27800, s3  }
0xa: {  	s29 =	sshll.u32 s3, $0x6;
	s30 =	sshll.u32 s9, $0xA;
	p0 =	seq.s32 s3, $0xF  }
0xb: {  	s31 =	sshll.u32 s9, $0x7;
	s11 =	sshrl.u32 s7, $0x1;
	s18 =	sshrl.u32 @p0 s18, $0x3  }
0xc: {  	s8 =	sadd.s32 s4, s5;
	s4 =	sadd.s32 $0x58200, s5;
	s6 =	sshrl.u32 s6, $0x2  }
0xd: {  	s11 =	ssub.s32 s7, s11;
	s5 =	sadd.s32 s5, s12;
	s12 =	sor.u32 s30, s13  }
0xe: {  	s13 =	simm.s32 $0x2;
	s19 =	sadd.s32 s6, s1;
	s6 =	sor.u32 $0x1C02, s29  }
0xf: {  	s7 =	sadd.s32 $0x5000, s5;
	s8 =	sadd.s32 $0xA000, s8;
	s12 =	sshrl.u32 s12, $0x3  }
0x10: {  	s11 =	smax.u32 s11, $0x1;
	s9 =	sadd.s32 s10, s12;
	s10 =	sadd.s32 s31, s10  }
0x11: {  	s12 =	sshrl.u32 s19, $0x3;
	s19 =	sshrl.u32 @!p0 s19, $0x3;
	s10 =	sadd.s32 $0x4A100, s10  }
.LBB2_1:
0x12: {  	[spmem:s12], [sflag:s6] =	dma.local [hbm:s4], $0x2780  }
0x13: {  	_ =	swait.ge [sflag:s13], $0x2780  }
0x14: {  	[sflag:s13] =	ssyncset.done $0x0  }
0x15: {  	[sflag:s13] =	ssyncadd.s32 $0xFFFFD880  }
0x16: {  	[tilespmem:s2], [sflag:$0x2] =	stream.linear.gather [hbm4b:s7+s2], $0x2800, $0x38;
	[tilespmem:$0x1CC00] =	vst v63  }
0x17: {  	_ =	swait.ge [sflag:s13], $0x2800  }
0x18: {  	[sflag:s13] =	ssyncset.done $0x0  }
0x19: {  	[sflag:s13] =	ssyncadd.s32 $0xFFFFD800  }
0x1a: {  	[tilespmem:s14], [sflag:$0x2] =	stream.linear.gather [hbm4b:s5+s2], $0x2800, $0x38;
	[tilespmem:$0x1CC00] =	vst v63  }
0x1b: {  	_ =	swait.ge [sflag:s13], $0x2800  }
0x1c: {  	[sflag:s13] =	ssyncset.done $0x0  }
0x1d: {  	[sflag:s13] =	ssyncadd.s32 $0xFFFFD800  }
0x1e: {  	s21 =	simm.s32 $0x0;
	[bflag:$0x0] =	sbarrier.arrive $0xFFFF  }
0x1f: {  	[tilespmem:s16], [sflag:$0x1] =	stream.indirect.gather [hbm4b:s8+s15], $0x80, s21, s15, $0xb8;
	[tilespmem:$0x1CC00] =	vst v63  }
0x20: {  	_ =	swait.ge [sflag:s17], $0x3E80  }
0x21: {  	[sflag:s17] =	ssyncset.done $0x0  }
0x22: {  	s31 =	simm.s32 $0x2800;
	[sflag:s17] =	ssyncadd.s32 $0xFFFFC180  }
0x23: {  	[spmem:s1] =	stream.indirect.scatter.add.f32 [tilespmem:s16], [sflag:$0x2], $0x80, s31, s15, $0xb8;
	[tilespmem:$0x1CC00] =	vst v63  }
0x24: {  	_ =	swait.ge [sflag:s13], $0x3E80  }
0x25: {  	s22 =	simm.s32 $0x400;
	s21 =	simm.s32 $0x200;
	[sflag:s13] =	ssyncset.done $0x0  }
.LBB2_2:
0x26: {  	s23 =	sshra.s32 s21, $0x2  }
0x27: {  	[sflag:s13] =	ssyncadd.s32 $0xFFFFC180;
	s21 =	smov.u32 s22;
	s24 =	sadd.s32 $0x200, s22  }
0x28: {  	[tilespmem:s16], [sflag:$0x1] =	stream.indirect.gather [hbm4b:s8+s15], $0x80, s23, s15, $0xb8;
	[tilespmem:$0x1CC00] =	vst v63  }
0x29: {  	p1 =	sne.s32 s22, $0x9E00;
	_ =	swait.ge [sflag:s17], $0x3E80  }
.Ltmp0:
0x2a: {  	[sflag:s17] =	ssyncset.done $0x0;
	(pc) =	sbr.rel @p1 .LBB2_2-.Ltmp0, $4  }
0x2b: {  	s22 =	sadd.s32 $0x2800, s23;
	[sflag:s17] =	ssyncadd.s32 $0xFFFFC180  }
0x2c: {  	[spmem:s1] =	stream.indirect.scatter.add.f32 [tilespmem:s16], [sflag:$0x2], $0x80, s22, s15, $0xb8;
	[tilespmem:$0x1CC00] =	vst v63  }
0x2d: {  	_ =	swait.ge [sflag:s13], $0x3E80  }
0x2e: {  	s22 =	smov.u32 s24;
	[sflag:s13] =	ssyncset.done $0x0  }
0x2f: {  	s21 =	sshra.s32 s21, $0x2;
	[sflag:s13] =	ssyncadd.s32 $0xFFFFC180  }
0x30: {  	[tilespmem:s16], [sflag:$0x1] =	stream.indirect.gather [hbm4b:s8+s15], $0x80, s21, s15, $0xb8;
	[tilespmem:$0x1CC00] =	vst v63  }
0x31: {  	_ =	swait.ge [sflag:s17], $0x3E80  }
0x32: {  	[sflag:s17] =	ssyncset.done $0x0  }
0x33: {  	s21 =	sadd.s32 $0x2800, s21;
	[sflag:s17] =	ssyncadd.s32 $0xFFFFC180  }
0x34: {  	[spmem:s1] =	stream.indirect.scatter.add.f32 [tilespmem:s16], [sflag:$0x2], $0x80, s21, s15, $0xb8;
	[tilespmem:$0x1CC00] =	vst v63  }
0x35: {  	_ =	swait.ge [sflag:s13], $0x3E80  }
0x36: {  	[sflag:s13] =	ssyncset.done $0x0  }
0x37: {  	s22 =	simm.s32 @p0 $0x100;
	[sflag:s13] =	ssyncadd.s32 $0xFFFFC180  }
0x38: {  	s23 =	simm.s32 @p0 $0x80;
	s21 =	simm.s32 @p0 $0x8;
	[bflag:$0x0] =	sbarrier.arrive $0xFFFF  }
0x39: {  	[hbm:s10@s22], [sflag:s6] =	dma.strided @p0 [spmem:s18@s23], $0x2080, s21, $0x10   }
0x3a: {  	s21 =	simm.s32 @p0 $0x2  }
0x3b: {  	s20 =	sadd.s32 $0x1, s20;
	_ =	swait.ge @p0 [sflag:s21], $0x2080  }
0x3c: {  	p1 =	sne.s32 s20, s11;
	s22 =	simm.s32 @!p0 $0x100;
	[sflag:s21] =	ssyncset.done @p0 $0x0  }
0x3d: {  	s23 =	simm.s32 @!p0 $0x80;
	[sflag:s21] =	ssyncadd.s32 @p0 $0xFFFFDF80;
	s21 =	simm.s32 @!p0 $0x8  }
0x3e: {  	[hbm:s9@s22], [sflag:s6] =	dma.strided @!p0 [spmem:s19@s23], $0x2780, s21, $0x10   }
.Ltmp1:
0x3f: {  	_ = 	snop;
	(pc) =	sbr.rel @p1 .LBB2_1-.Ltmp1, $4  }
0x40: {  	s21 =	simm.s32 @!p0 $0x2  }
0x41: {  	_ =	swait.ge @!p0 [sflag:s21], $0x2780  }
0x42: {  	[sflag:s21] =	ssyncset.done @!p0 $0x0  }
0x43: {  	[sflag:s21] =	ssyncadd.s32 @!p0 $0xFFFFD880  }
0x44: {  	_ =	sfence.sel $0x180000  }
0x45: {  	[bflag:$0x0] =	sbarrier.arrive $0xFFFF  }
0x46: {  	p0 =	sne.s32 s3, $0x0;
	_ =	strace $0x90000047  }
0x47: {  	s0 =	sadd.s32 @!p0 $0x100000, s0;
	[bflag:$0x2] =	sbarrier.arrive $0xFFFF  }
0x48: {  	[sflag:s0] =	ssyncadd.tile.s32 @!p0 $0x1;
	_ =	shalt  }
.Lfunc_end2:
_tile_overlayer_lowered:
.L_overlay_start_2:
0x49: {  	(tag) =	ssettag $0x2  }
0x4a: {  	s0 =	rddreg [dreg:$0x0];
	s2 =	stileid.u32  }
0x4b: {  	s1 =	rddreg [dreg:$0x1];
	p0 =	sne.s32 s2, $0x0  }
0x4c: {  	s3 =	rddreg [dreg:$0x2];
	[bflag:$0x3] =	sbarrier.arrive $0xFFFF;
	s2 =	simm.s32 @!p0 $0x1C02  }
0x4d: {  	[timem:s3], [sflag:s2] =	dma.local @!p0 [hbm:s0], s1  }
0x4e: {  	s0 =	simm.s32 @!p0 $0x2  }
0x4f: {  	_ =	swait.ge @!p0 [sflag:s0], s1  }
0x50: {  	s1 =	ssub.s32 @!p0 $0x0, s1;
	[sflag:s0] =	ssyncset.done @!p0 $0x0  }
0x51: {  	[sflag:s0] =	ssyncadd.s32 @!p0 s1  }
0x52: {  	[bflag:$0x3] =	sbarrier.arrive $0xFFFF  }
0x53: {  	_ =	shalt  }

</sc_bundles>
